<compile_context>
chip_gen: v7x
topology: tpu7x:2x2x1
jax: 0.10.2.dev20260603
libtpu: 0.0.44.dev20260713+nightly
codegen_flags: <defaults>
</compile_context>

<pallas_src>
import jax
import jax.numpy as jnp
from jax import lax
from jax.experimental import pallas as pl
from jax.experimental.pallas import tpu as pltpu
from jax.experimental.pallas import tpu_sc as plsc

B = 16384
K = 32
NR = 2
W = 128
NC, NS, L = 2, 16, 16
NW = NC * NS
RPW = B // NW
CHK = 128

_LN2 = 0.6931471805599453
_SQRT2 = 1.4142135623730951


def _vlog(a):
    ab = lax.bitcast_convert_type(a, jnp.int32)
    e = lax.shift_right_logical(ab, 23) - 127
    m = lax.bitcast_convert_type(
        jnp.bitwise_or(jnp.bitwise_and(ab, 0x007FFFFF), 0x3F800000),
        jnp.float32)
    big = m > _SQRT2
    m = jnp.where(big, m * 0.5, m)
    ef = (e + jnp.where(big, 1, 0)).astype(jnp.float32)
    t = (m - 1.0) / (m + 1.0)
    t2 = t * t
    p = 2.0 + t2 * (2.0 / 3.0 + t2 * (2.0 / 5.0 + t2 * (2.0 / 7.0 + t2 * (2.0 / 9.0))))
    return ef * _LN2 + t * p


def _rule_neg_log(s):
    sig = 1.0 / (1.0 + jnp.exp(-s))
    return _vlog((1.0 - sig) + 1e-40)


def _body(users_r, items_r, gu_tab, gi_tab, xui_o, gu_o, gi_o,
          idx_u, idx_i, gu_v, gi_v, xui_v, sem_g, sem_o):
    wid = lax.axis_index("s") * NC + lax.axis_index("c")
    base = wid * RPW

    pltpu.sync_copy(users_r.at[pl.ds(base, RPW)], idx_u)
    pltpu.sync_copy(items_r.at[pl.ds(base, RPW)], idx_i)

    iota = lax.iota(jnp.int32, L)

    def chunk(c, carry0):
        cu = pltpu.async_copy(gu_tab.at[idx_u.at[pl.ds(c * CHK, CHK)]], gu_v, sem_g)
        ci = pltpu.async_copy(gi_tab.at[idx_i.at[pl.ds(c * CHK, CHK)]], gi_v, sem_g)
        cu.wait()
        ci.wait()

        def group(g, carry):
            def rowfn(r, accs):
                a0, a1 = accs
                b = g * L + r
                ia = gi_v[b, pl.ds(0, L)]
                ib = gi_v[b, pl.ds(L, L)]
                u0a = gu_v[b, pl.ds(0, L)]
                u0b = gu_v[b, pl.ds(L, L)]
                u1a = gu_v[b, pl.ds(2 * L, L)]
                u1b = gu_v[b, pl.ds(3 * L, L)]
                s0 = jnp.sum(u0a * ia + u0b * ib)
                s1 = jnp.sum(u1a * ia + u1b * ib)
                sel = iota == r
                return (jnp.where(sel, s0, a0), jnp.where(sel, s1, a1))

            z = jnp.zeros((L,), jnp.float32)
            a0, a1 = lax.fori_loop(0, L, rowfn, (z, z))
            log_sum = _rule_neg_log(a0) + _rule_neg_log(a1)
            xui_v[pl.ds(c * CHK + g * L, L)] = 1.0 - (-1.0 / (-1.0 + log_sum))
            return carry

        lax.fori_loop(0, CHK // L, group, 0)
        pltpu.sync_copy(gu_v, gu_o.at[pl.ds(base + c * CHK, CHK)])
        pltpu.sync_copy(gi_v, gi_o.at[pl.ds(base + c * CHK, CHK)])
        return carry0

    lax.fori_loop(0, RPW // CHK, chunk, 0)
    pltpu.sync_copy(xui_v, xui_o.at[pl.ds(base, RPW)])


def kernel(users, items, Gu, Gi):
    users = users.astype(jnp.int32)
    items = items.astype(jnp.int32)
    gu_p = jnp.pad(Gu, ((0, 0), (0, W - NR * K)))
    gi_p = jnp.pad(Gi, ((0, 0), (0, W - K)))
    run = pl.kernel(
        _body,
        out_type=(
            jax.ShapeDtypeStruct((B,), jnp.float32),
            jax.ShapeDtypeStruct((B, W), jnp.float32),
            jax.ShapeDtypeStruct((B, W), jnp.float32),
        ),
        mesh=plsc.VectorSubcoreMesh(core_axis_name="c", subcore_axis_name="s"),
        scratch_types=(
            pltpu.VMEM((RPW,), jnp.int32),
            pltpu.VMEM((RPW,), jnp.int32),
            pltpu.VMEM((CHK, W), jnp.float32),
            pltpu.VMEM((CHK, W), jnp.float32),
            pltpu.VMEM((RPW,), jnp.float32),
            pltpu.SemaphoreType.DMA,
            pltpu.SemaphoreType.DMA,
        ),
        compiler_params=pltpu.CompilerParams(
            needs_layout_passes=False, use_tc_tiling_on_sc=True),
    )
    xui, gu_pad, gi_pad = run(users, items, gu_p, gi_p)
    return xui, gu_pad[:, :NR * K].reshape(B, NR, K), gi_pad[:, :K]

# --- scband reference (transcript-rebuilt; emitter-appended) ---
"""Pipeline reference for scband-rbrsmodel-16595753632540 (READ-ONLY COPY).

The authoritative reference and input builder live on the scoring server;
editing this copy changes nothing except your own understanding.
"""

import jax, jax.numpy as jnp
import numpy as np

NUM_USERS = 1000000
NUM_ITEMS = 1000000
EMBED_K = 32
N_RULES = 2
BATCH = 16384


def setup_inputs(seed: int = 0) -> dict:
    key = jax.random.key(seed)
    k1, k2, k3, k4 = jax.random.split(key, 4)
    users = jax.random.randint(k1, (BATCH,), 0, NUM_USERS)
    items = jax.random.randint(k2, (BATCH,), 0, NUM_ITEMS)
    # xavier-uniform-like init for the learned embedding tables
    bound_u = float(np.sqrt(6.0 / (NUM_USERS + N_RULES * EMBED_K)))
    bound_i = float(np.sqrt(6.0 / (NUM_ITEMS + EMBED_K)))
    Gu = jax.random.uniform(k3, (NUM_USERS, N_RULES * EMBED_K), minval=-bound_u, maxval=bound_u, dtype=jnp.float32)
    Gi = jax.random.uniform(k4, (NUM_ITEMS, EMBED_K), minval=-bound_i, maxval=bound_i, dtype=jnp.float32)
    return {"users": users, "items": items, "Gu": Gu, "Gi": Gi}


def reference(users, items, Gu, Gi):
    batch_size = users.shape[0]
    # embedding gathers (SparseCore-mappable)
    gu = jnp.take(Gu, users, axis=0).reshape(batch_size, N_RULES, EMBED_K)
    gamma_i = jnp.take(Gi, items, axis=0)
    # per-rule AND scores: dot(gu[:, r, :], gamma_i) for each rule r
    scores = jnp.einsum('brk,bk->br', gu, gamma_i)  # [B, n_rules]
    and_scores = jax.nn.sigmoid(scores)
    # disjunction_rule(selector=1.0, selected=and_scores, epsilon=1e-40)
    expr = jnp.log(1.0 - 1.0 * and_scores + 1e-40)
    log_sum = jnp.sum(expr, axis=1)
    xui = 1.0 - (-1.0 / (-1.0 + log_sum))
    return (xui, gu, gamma_i)

if __name__ == "__main__":
    import jax
    _d = setup_inputs()
    print(jax.jit(kernel)(*tuple(_d.values())))

</pallas_src>

<mosaic_0001>
#map = affine_map<(d0, d1) -> (0)>
#map1 = affine_map<(d0, d1) -> (0, 0)>
module attributes {stable_mosaic.version = 14 : i64} {
  func.func @_body(%arg0: i32, %arg1: i32, %arg2: memref<16384xi32, #tpu.memory_space<hbm>>, %arg3: memref<16384xi32, #tpu.memory_space<hbm>>, %arg4: memref<1000000x128xf32, #tpu.memory_space<hbm>>, %arg5: memref<1000000x128xf32, #tpu.memory_space<hbm>>, %arg6: memref<16384xf32, #tpu.memory_space<hbm>>, %arg7: memref<16384x128xf32, #tpu.memory_space<hbm>>, %arg8: memref<16384x128xf32, #tpu.memory_space<hbm>>, %arg9: memref<512xi32, #tpu.memory_space<vmem>>, %arg10: memref<512xi32, #tpu.memory_space<vmem>>, %arg11: memref<128x128xf32, #tpu.memory_space<vmem>>, %arg12: memref<128x128xf32, #tpu.memory_space<vmem>>, %arg13: memref<512xf32, #tpu.memory_space<vmem>>, %arg14: memref<!tpu.dma_semaphore, #tpu.memory_space<semaphore_mem>>, %arg15: memref<!tpu.dma_semaphore, #tpu.memory_space<semaphore_mem>>) attributes {dimension_semantics = [#tpu.dimension_semantics<core_parallel>, #tpu.dimension_semantics<subcore_parallel>], iteration_bounds = array<i64: 2, 16>, scalar_prefetch = 0 : i64, scratch_operands = 7 : i64, tpu.core_type = #tpu.core_type<sc_vector_subcore>, window_params = [{transform_indices = #map}, {transform_indices = #map}, {transform_indices = #map1}, {transform_indices = #map1}, {transform_indices = #map}, {transform_indices = #map1}, {transform_indices = #map1}]} {
    %mul3A = arith.constant 2 : i32
    %mul3A_0 = arith.muli %arg1, %mul3A : i32
    %add3A = arith.addi %mul3A_0, %arg0 : i32
    %mul3A_1 = arith.constant 512 : i32
    %mul3A_2 = arith.muli %add3A, %mul3A_1 : i32
    "tpu.region"() ({
      %run_scoped3A = tpu.sem_alloc : memref<!tpu.dma_semaphore, #tpu.memory_space<semaphore_mem>>
      %dma_start3A = tpu.memref_slice %arg2[%mul3A_2] : memref<16384xi32, #tpu.memory_space<hbm>> -> memref<512xi32, #tpu.memory_space<hbm>>
      %dma_start3A_8 = tpu.memref_slice %arg2[%mul3A_2] : memref<16384xi32, #tpu.memory_space<hbm>> -> memref<512xi32, #tpu.memory_space<hbm>>
      tpu.enqueue_dma source(%dma_start3A_8 : memref<512xi32, #tpu.memory_space<hbm>>) target(%arg9 : memref<512xi32, #tpu.memory_space<vmem>>) target_semaphore(%run_scoped3A : memref<!tpu.dma_semaphore, #tpu.memory_space<semaphore_mem>>)
      %dma_wait3A = tpu.memref_slice %arg2[%mul3A_2] : memref<16384xi32, #tpu.memory_space<hbm>> -> memref<512xi32, #tpu.memory_space<hbm>>
      %dma_wait3A_9 = tpu.memref_slice %arg2[%mul3A_2] : memref<16384xi32, #tpu.memory_space<hbm>> -> memref<512xi32, #tpu.memory_space<hbm>>
      tpu.wait_dma2 semaphore(%run_scoped3A : memref<!tpu.dma_semaphore, #tpu.memory_space<semaphore_mem>>) src(%dma_wait3A_9 : memref<512xi32, #tpu.memory_space<hbm>>) dst(%arg9 : memref<512xi32, #tpu.memory_space<vmem>>)
      tpu.yield
    }) : () -> ()
    "tpu.region"() ({
      %run_scoped3A = tpu.sem_alloc : memref<!tpu.dma_semaphore, #tpu.memory_space<semaphore_mem>>
      %dma_start3A = tpu.memref_slice %arg3[%mul3A_2] : memref<16384xi32, #tpu.memory_space<hbm>> -> memref<512xi32, #tpu.memory_space<hbm>>
      %dma_start3A_8 = tpu.memref_slice %arg3[%mul3A_2] : memref<16384xi32, #tpu.memory_space<hbm>> -> memref<512xi32, #tpu.memory_space<hbm>>
      tpu.enqueue_dma source(%dma_start3A_8 : memref<512xi32, #tpu.memory_space<hbm>>) target(%arg10 : memref<512xi32, #tpu.memory_space<vmem>>) target_semaphore(%run_scoped3A : memref<!tpu.dma_semaphore, #tpu.memory_space<semaphore_mem>>)
      %dma_wait3A = tpu.memref_slice %arg3[%mul3A_2] : memref<16384xi32, #tpu.memory_space<hbm>> -> memref<512xi32, #tpu.memory_space<hbm>>
      %dma_wait3A_9 = tpu.memref_slice %arg3[%mul3A_2] : memref<16384xi32, #tpu.memory_space<hbm>> -> memref<512xi32, #tpu.memory_space<hbm>>
      tpu.wait_dma2 semaphore(%run_scoped3A : memref<!tpu.dma_semaphore, #tpu.memory_space<semaphore_mem>>) src(%dma_wait3A_9 : memref<512xi32, #tpu.memory_space<hbm>>) dst(%arg10 : memref<512xi32, #tpu.memory_space<vmem>>)
      tpu.yield
    }) : () -> ()
    %iota3A = tpu.iota {dimensions = array<i32: 0>} : vector<16xi32>
    %scan3A = arith.constant 0 : i32
    %scan3A_3 = arith.constant 0 : i32
    %scan3A_4 = arith.constant 4 : i32
    %scan3A_5 = arith.addi %scan3A_3, %scan3A_4 : i32
    %scan3A_6 = arith.constant 1 : i32
    scf.for %scan3A_8 = %scan3A_3 to %scan3A_5 step %scan3A_6  : i32 {
      %mul3A_9 = arith.constant 128 : i32
      %mul3A_10 = arith.muli %scan3A_8, %mul3A_9 : i32
      %dma_start3A = tpu.memref_slice %arg9[%mul3A_10] : memref<512xi32, #tpu.memory_space<vmem>> -> memref<128xi32, #tpu.memory_space<vmem>>
      %dma_start3A_11 = arith.constant 0 : i32
      %dma_start3A_12 = arith.constant 0 : i32
      %dma_start3A_13 = tpu.memref_slice %arg4[%dma_start3A_11, %dma_start3A_12] : memref<1000000x128xf32, #tpu.memory_space<hbm>> -> memref<1000000x128xf32, #tpu.memory_space<hbm>>
      tpu.enqueue_indirect_dma source(%dma_start3A_13 : memref<1000000x128xf32, #tpu.memory_space<hbm>>) target(%arg11 : memref<128x128xf32, #tpu.memory_space<vmem>>) offsets(%dma_start3A : memref<128xi32, #tpu.memory_space<vmem>>) semaphore(%arg14 : memref<!tpu.dma_semaphore, #tpu.memory_space<semaphore_mem>>)
      %mul3A_14 = arith.constant 128 : i32
      %mul3A_15 = arith.muli %scan3A_8, %mul3A_14 : i32
      %dma_start3A_16 = tpu.memref_slice %arg10[%mul3A_15] : memref<512xi32, #tpu.memory_space<vmem>> -> memref<128xi32, #tpu.memory_space<vmem>>
      %dma_start3A_17 = arith.constant 0 : i32
      %dma_start3A_18 = arith.constant 0 : i32
      %dma_start3A_19 = tpu.memref_slice %arg5[%dma_start3A_17, %dma_start3A_18] : memref<1000000x128xf32, #tpu.memory_space<hbm>> -> memref<1000000x128xf32, #tpu.memory_space<hbm>>
      tpu.enqueue_indirect_dma source(%dma_start3A_19 : memref<1000000x128xf32, #tpu.memory_space<hbm>>) target(%arg12 : memref<128x128xf32, #tpu.memory_space<vmem>>) offsets(%dma_start3A_16 : memref<128xi32, #tpu.memory_space<vmem>>) semaphore(%arg14 : memref<!tpu.dma_semaphore, #tpu.memory_space<semaphore_mem>>)
      %dma_wait3A = tpu.memref_slice %arg9[%mul3A_10] : memref<512xi32, #tpu.memory_space<vmem>> -> memref<128xi32, #tpu.memory_space<vmem>>
      %dma_wait3A_20 = arith.constant 0 : i32
      %dma_wait3A_21 = arith.constant 0 : i32
      %dma_wait3A_22 = tpu.memref_slice %arg4[%dma_wait3A_20, %dma_wait3A_21] : memref<1000000x128xf32, #tpu.memory_space<hbm>> -> memref<1000000x128xf32, #tpu.memory_space<hbm>>
      tpu.wait_indirect_dma semaphore(%arg14 : memref<!tpu.dma_semaphore, #tpu.memory_space<semaphore_mem>>) src(%dma_wait3A_22 : memref<1000000x128xf32, #tpu.memory_space<hbm>>) dst(%arg11 : memref<128x128xf32, #tpu.memory_space<vmem>>)
      %dma_wait3A_23 = tpu.memref_slice %arg10[%mul3A_15] : memref<512xi32, #tpu.memory_space<vmem>> -> memref<128xi32, #tpu.memory_space<vmem>>
      %dma_wait3A_24 = arith.constant 0 : i32
      %dma_wait3A_25 = arith.constant 0 : i32
      %dma_wait3A_26 = tpu.memref_slice %arg5[%dma_wait3A_24, %dma_wait3A_25] : memref<1000000x128xf32, #tpu.memory_space<hbm>> -> memref<1000000x128xf32, #tpu.memory_space<hbm>>
      tpu.wait_indirect_dma semaphore(%arg14 : memref<!tpu.dma_semaphore, #tpu.memory_space<semaphore_mem>>) src(%dma_wait3A_26 : memref<1000000x128xf32, #tpu.memory_space<hbm>>) dst(%arg12 : memref<128x128xf32, #tpu.memory_space<vmem>>)
      %scan3A_27 = arith.constant 0 : i32
      %scan3A_28 = arith.constant 0 : i32
      %scan3A_29 = arith.constant 8 : i32
      %scan3A_30 = arith.addi %scan3A_28, %scan3A_29 : i32
      %scan3A_31 = arith.constant 1 : i32
      scf.for %scan3A_39 = %scan3A_28 to %scan3A_30 step %scan3A_31  : i32 {
        %broadcast_in_dim3A = arith.constant 0.000000e+00 : f32
        %broadcast_in_dim3A_40 = vector.broadcast %broadcast_in_dim3A : f32 to vector<16xf32>
        %scan3A_41 = arith.constant 0 : i32
        %scan3A_42 = arith.constant 16 : i32
        %scan3A_43 = arith.addi %scan3A_41, %scan3A_42 : i32
        %scan3A_44 = arith.constant 1 : i32
        %scan3A_45:2 = scf.for %scan3A_201 = %scan3A_41 to %scan3A_43 step %scan3A_44 iter_args(%scan3A_202 = %broadcast_in_dim3A_40, %scan3A_203 = %broadcast_in_dim3A_40) -> (vector<16xf32>, vector<16xf32>)  : i32 {
          %mul3A_204 = arith.constant 16 : i32
          %mul3A_205 = arith.muli %scan3A_39, %mul3A_204 : i32
          %add3A_206 = arith.addi %mul3A_205, %scan3A_201 : i32
          %get3A = arith.index_cast %add3A_206 : i32 to index
          %get3A_207 = arith.constant 0 : index
          %get3A_208 = tpu.vector_load %arg12[%get3A, %get3A_207] {strides = array<i32>} : memref<128x128xf32, #tpu.memory_space<vmem>>, vector<16xf32>,
          %get3A_209 = arith.index_cast %add3A_206 : i32 to index
          %get3A_210 = arith.constant 16 : index
          %get3A_211 = tpu.vector_load %arg12[%get3A_209, %get3A_210] {strides = array<i32>} : memref<128x128xf32, #tpu.memory_space<vmem>>, vector<16xf32>,
          %get3A_212 = arith.index_cast %add3A_206 : i32 to index
          %get3A_213 = arith.constant 0 : index
          %get3A_214 = tpu.vector_load %arg11[%get3A_212, %get3A_213] {strides = array<i32>} : memref<128x128xf32, #tpu.memory_space<vmem>>, vector<16xf32>,
          %get3A_215 = arith.index_cast %add3A_206 : i32 to index
          %get3A_216 = arith.constant 16 : index
          %get3A_217 = tpu.vector_load %arg11[%get3A_215, %get3A_216] {strides = array<i32>} : memref<128x128xf32, #tpu.memory_space<vmem>>, vector<16xf32>,
          %get3A_218 = arith.index_cast %add3A_206 : i32 to index
          %get3A_219 = arith.constant 32 : index
          %get3A_220 = tpu.vector_load %arg11[%get3A_218, %get3A_219] {strides = array<i32>} : memref<128x128xf32, #tpu.memory_space<vmem>>, vector<16xf32>,
          %get3A_221 = arith.index_cast %add3A_206 : i32 to index
          %get3A_222 = arith.constant 48 : index
          %get3A_223 = tpu.vector_load %arg11[%get3A_221, %get3A_222] {strides = array<i32>} : memref<128x128xf32, #tpu.memory_space<vmem>>, vector<16xf32>,
          %mul3A_224 = arith.mulf %get3A_214, %get3A_208 : vector<16xf32>
          %mul3A_225 = arith.mulf %get3A_217, %get3A_211 : vector<16xf32>
          %add3A_226 = arith.addf %mul3A_224, %mul3A_225 : vector<16xf32>
          %reduce_sum3A = arith.constant true
          %reduce_sum3A_227 = vector.broadcast %reduce_sum3A : i1 to vector<16xi1>
          %reduce_sum3A_228 = tpu.scan <sum>, %add3A_226 masked %reduce_sum3A_227 : vector<16xf32>, vector<16xi1> -> vector<16xf32>
          %reduce_sum3A_229 = vector.extract %reduce_sum3A_228[15] : f32 from vector<16xf32>
          %mul3A_230 = arith.mulf %get3A_220, %get3A_208 : vector<16xf32>
          %mul3A_231 = arith.mulf %get3A_223, %get3A_211 : vector<16xf32>
          %add3A_232 = arith.addf %mul3A_230, %mul3A_231 : vector<16xf32>
          %reduce_sum3A_233 = arith.constant true
          %reduce_sum3A_234 = vector.broadcast %reduce_sum3A_233 : i1 to vector<16xi1>
          %reduce_sum3A_235 = tpu.scan <sum>, %add3A_232 masked %reduce_sum3A_234 : vector<16xf32>, vector<16xi1> -> vector<16xf32>
          %reduce_sum3A_236 = vector.extract %reduce_sum3A_235[15] : f32 from vector<16xf32>
          %eq3A = vector.broadcast %scan3A_201 : i32 to vector<16xi32>
          %eq3A_237 = arith.cmpi eq, %iota3A, %eq3A : vector<16xi32>
          %broadcast_in_dim3A_238 = vector.broadcast %reduce_sum3A_229 : f32 to vector<16xf32>
          %select_n3A_239 = arith.select %eq3A_237, %broadcast_in_dim3A_238, %scan3A_202 : vector<16xi1>, vector<16xf32>
          %broadcast_in_dim3A_240 = vector.broadcast %reduce_sum3A_236 : f32 to vector<16xf32>
          %select_n3A_241 = arith.select %eq3A_237, %broadcast_in_dim3A_240, %scan3A_203 : vector<16xi1>, vector<16xf32>
          scf.yield %select_n3A_239, %select_n3A_241 : vector<16xf32>, vector<16xf32>
        }
        %scan3A_46 = arith.constant 16 : i32
        %neg3A = arith.constant 0.000000e+00 : f32
        %neg3A_47 = vector.broadcast %neg3A : f32 to vector<16xf32>
        %neg3A_48 = arith.subf %neg3A_47, %scan3A_45#0 : vector<16xf32>
        %exp3A = math.exp %neg3A_48 : vector<16xf32>
        %add3A_49 = arith.constant 1.000000e+00 : f32
        %add3A_50 = vector.broadcast %add3A_49 : f32 to vector<16xf32>
        %add3A_51 = arith.addf %add3A_50, %exp3A : vector<16xf32>
        %div3A = arith.constant 1.000000e+00 : f32
        %div3A_52 = vector.broadcast %div3A : f32 to vector<16xf32>
        %div3A_53 = arith.divf %div3A_52, %add3A_51 : vector<16xf32>
        %sub3A = arith.constant 1.000000e+00 : f32
        %sub3A_54 = vector.broadcast %sub3A : f32 to vector<16xf32>
        %sub3A_55 = arith.subf %sub3A_54, %div3A_53 : vector<16xf32>
        %add3A_56 = arith.constant 9.999940e-41 : f32
        %add3A_57 = vector.broadcast %add3A_56 : f32 to vector<16xf32>
        %add3A_58 = arith.addf %sub3A_55, %add3A_57 : vector<16xf32>
        %bitcast_convert_type3A = tpu.bitcast %add3A_58 : vector<16xf32> -> vector<16xi32>
        %shift_right_logical3A = arith.constant 23 : i32
        %shift_right_logical3A_59 = vector.broadcast %shift_right_logical3A : i32 to vector<16xi32>
        %shift_right_logical3A_60 = arith.shrui %bitcast_convert_type3A, %shift_right_logical3A_59 : vector<16xi32>
        %sub3A_61 = arith.constant 127 : i32
        %sub3A_62 = vector.broadcast %sub3A_61 : i32 to vector<16xi32>
        %sub3A_63 = arith.subi %shift_right_logical3A_60, %sub3A_62 : vector<16xi32>
        %and3A = arith.constant 8388607 : i32
        %and3A_64 = vector.broadcast %and3A : i32 to vector<16xi32>
        %and3A_65 = arith.andi %bitcast_convert_type3A, %and3A_64 : vector<16xi32>
        %or3A = arith.constant 1065353216 : i32
        %or3A_66 = vector.broadcast %or3A : i32 to vector<16xi32>
        %or3A_67 = arith.ori %and3A_65, %or3A_66 : vector<16xi32>
        %bitcast_convert_type3A_68 = tpu.bitcast %or3A_67 : vector<16xi32> -> vector<16xf32>
        %gt3A = arith.constant 1.41421354 : f32
        %gt3A_69 = vector.broadcast %gt3A : f32 to vector<16xf32>
        %gt3A_70 = arith.cmpf ogt, %bitcast_convert_type3A_68, %gt3A_69 : vector<16xf32>
        %mul3A_71 = arith.constant 5.000000e-01 : f32
        %mul3A_72 = vector.broadcast %mul3A_71 : f32 to vector<16xf32>
        %mul3A_73 = arith.mulf %bitcast_convert_type3A_68, %mul3A_72 : vector<16xf32>
        %select_n3A = arith.select %gt3A_70, %mul3A_73, %bitcast_convert_type3A_68 : vector<16xi1>, vector<16xf32>
        %jit3A = arith.constant 1 : i32
        %jit3A_74 = arith.constant 0 : i32
        %broadcast_in_dim3A_75 = vector.broadcast %jit3A : i32 to vector<16xi32>
        %broadcast_in_dim3A_76 = vector.broadcast %jit3A_74 : i32 to vector<16xi32>
        %select_n3A_77 = arith.select %gt3A_70, %broadcast_in_dim3A_75, %broadcast_in_dim3A_76 : vector<16xi1>, vector<16xi32>
        %add3A_78 = arith.addi %sub3A_63, %select_n3A_77 : vector<16xi32>
        %convert_element_type3A = arith.sitofp %add3A_78 : vector<16xi32> to vector<16xf32>
        %sub3A_79 = arith.constant 1.000000e+00 : f32
        %sub3A_80 = vector.broadcast %sub3A_79 : f32 to vector<16xf32>
        %sub3A_81 = arith.subf %select_n3A, %sub3A_80 : vector<16xf32>
        %add3A_82 = arith.constant 1.000000e+00 : f32
        %add3A_83 = vector.broadcast %add3A_82 : f32 to vector<16xf32>
        %add3A_84 = arith.addf %select_n3A, %add3A_83 : vector<16xf32>
        %div3A_85 = arith.divf %sub3A_81, %add3A_84 : vector<16xf32>
        %mul3A_86 = arith.mulf %div3A_85, %div3A_85 : vector<16xf32>
        %mul3A_87 = arith.constant 0.222222224 : f32
        %mul3A_88 = vector.broadcast %mul3A_87 : f32 to vector<16xf32>
        %mul3A_89 = arith.mulf %mul3A_86, %mul3A_88 : vector<16xf32>
        %add3A_90 = arith.constant 0.285714298 : f32
        %add3A_91 = vector.broadcast %add3A_90 : f32 to vector<16xf32>
        %add3A_92 = arith.addf %add3A_91, %mul3A_89 : vector<16xf32>
        %mul3A_93 = arith.mulf %mul3A_86, %add3A_92 : vector<16xf32>
        %add3A_94 = arith.constant 4.000000e-01 : f32
        %add3A_95 = vector.broadcast %add3A_94 : f32 to vector<16xf32>
        %add3A_96 = arith.addf %add3A_95, %mul3A_93 : vector<16xf32>
        %mul3A_97 = arith.mulf %mul3A_86, %add3A_96 : vector<16xf32>
        %add3A_98 = arith.constant 0.666666686 : f32
        %add3A_99 = vector.broadcast %add3A_98 : f32 to vector<16xf32>
        %add3A_100 = arith.addf %add3A_99, %mul3A_97 : vector<16xf32>
        %mul3A_101 = arith.mulf %mul3A_86, %add3A_100 : vector<16xf32>
        %add3A_102 = arith.constant 2.000000e+00 : f32
        %add3A_103 = vector.broadcast %add3A_102 : f32 to vector<16xf32>
        %add3A_104 = arith.addf %add3A_103, %mul3A_101 : vector<16xf32>
        %mul3A_105 = arith.constant 0.693147182 : f32
        %mul3A_106 = vector.broadcast %mul3A_105 : f32 to vector<16xf32>
        %mul3A_107 = arith.mulf %convert_element_type3A, %mul3A_106 : vector<16xf32>
        %mul3A_108 = arith.mulf %div3A_85, %add3A_104 : vector<16xf32>
        %add3A_109 = arith.addf %mul3A_107, %mul3A_108 : vector<16xf32>
        %neg3A_110 = arith.constant 0.000000e+00 : f32
        %neg3A_111 = vector.broadcast %neg3A_110 : f32 to vector<16xf32>
        %neg3A_112 = arith.subf %neg3A_111, %scan3A_45#1 : vector<16xf32>
        %exp3A_113 = math.exp %neg3A_112 : vector<16xf32>
        %add3A_114 = arith.constant 1.000000e+00 : f32
        %add3A_115 = vector.broadcast %add3A_114 : f32 to vector<16xf32>
        %add3A_116 = arith.addf %add3A_115, %exp3A_113 : vector<16xf32>
        %div3A_117 = arith.constant 1.000000e+00 : f32
        %div3A_118 = vector.broadcast %div3A_117 : f32 to vector<16xf32>
        %div3A_119 = arith.divf %div3A_118, %add3A_116 : vector<16xf32>
        %sub3A_120 = arith.constant 1.000000e+00 : f32
        %sub3A_121 = vector.broadcast %sub3A_120 : f32 to vector<16xf32>
        %sub3A_122 = arith.subf %sub3A_121, %div3A_119 : vector<16xf32>
        %add3A_123 = arith.constant 9.999940e-41 : f32
        %add3A_124 = vector.broadcast %add3A_123 : f32 to vector<16xf32>
        %add3A_125 = arith.addf %sub3A_122, %add3A_124 : vector<16xf32>
        %bitcast_convert_type3A_126 = tpu.bitcast %add3A_125 : vector<16xf32> -> vector<16xi32>
        %shift_right_logical3A_127 = arith.constant 23 : i32
        %shift_right_logical3A_128 = vector.broadcast %shift_right_logical3A_127 : i32 to vector<16xi32>
        %shift_right_logical3A_129 = arith.shrui %bitcast_convert_type3A_126, %shift_right_logical3A_128 : vector<16xi32>
        %sub3A_130 = arith.constant 127 : i32
        %sub3A_131 = vector.broadcast %sub3A_130 : i32 to vector<16xi32>
        %sub3A_132 = arith.subi %shift_right_logical3A_129, %sub3A_131 : vector<16xi32>
        %and3A_133 = arith.constant 8388607 : i32
        %and3A_134 = vector.broadcast %and3A_133 : i32 to vector<16xi32>
        %and3A_135 = arith.andi %bitcast_convert_type3A_126, %and3A_134 : vector<16xi32>
        %or3A_136 = arith.constant 1065353216 : i32
        %or3A_137 = vector.broadcast %or3A_136 : i32 to vector<16xi32>
        %or3A_138 = arith.ori %and3A_135, %or3A_137 : vector<16xi32>
        %bitcast_convert_type3A_139 = tpu.bitcast %or3A_138 : vector<16xi32> -> vector<16xf32>
        %gt3A_140 = arith.constant 1.41421354 : f32
        %gt3A_141 = vector.broadcast %gt3A_140 : f32 to vector<16xf32>
        %gt3A_142 = arith.cmpf ogt, %bitcast_convert_type3A_139, %gt3A_141 : vector<16xf32>
        %mul3A_143 = arith.constant 5.000000e-01 : f32
        %mul3A_144 = vector.broadcast %mul3A_143 : f32 to vector<16xf32>
        %mul3A_145 = arith.mulf %bitcast_convert_type3A_139, %mul3A_144 : vector<16xf32>
        %select_n3A_146 = arith.select %gt3A_142, %mul3A_145, %bitcast_convert_type3A_139 : vector<16xi1>, vector<16xf32>
        %jit3A_147 = arith.constant 1 : i32
        %jit3A_148 = arith.constant 0 : i32
        %broadcast_in_dim3A_149 = vector.broadcast %jit3A_147 : i32 to vector<16xi32>
        %broadcast_in_dim3A_150 = vector.broadcast %jit3A_148 : i32 to vector<16xi32>
        %select_n3A_151 = arith.select %gt3A_142, %broadcast_in_dim3A_149, %broadcast_in_dim3A_150 : vector<16xi1>, vector<16xi32>
        %add3A_152 = arith.addi %sub3A_132, %select_n3A_151 : vector<16xi32>
        %convert_element_type3A_153 = arith.sitofp %add3A_152 : vector<16xi32> to vector<16xf32>
        %sub3A_154 = arith.constant 1.000000e+00 : f32
        %sub3A_155 = vector.broadcast %sub3A_154 : f32 to vector<16xf32>
        %sub3A_156 = arith.subf %select_n3A_146, %sub3A_155 : vector<16xf32>
        %add3A_157 = arith.constant 1.000000e+00 : f32
        %add3A_158 = vector.broadcast %add3A_157 : f32 to vector<16xf32>
        %add3A_159 = arith.addf %select_n3A_146, %add3A_158 : vector<16xf32>
        %div3A_160 = arith.divf %sub3A_156, %add3A_159 : vector<16xf32>
        %mul3A_161 = arith.mulf %div3A_160, %div3A_160 : vector<16xf32>
        %mul3A_162 = arith.constant 0.222222224 : f32
        %mul3A_163 = vector.broadcast %mul3A_162 : f32 to vector<16xf32>
        %mul3A_164 = arith.mulf %mul3A_161, %mul3A_163 : vector<16xf32>
        %add3A_165 = arith.constant 0.285714298 : f32
        %add3A_166 = vector.broadcast %add3A_165 : f32 to vector<16xf32>
        %add3A_167 = arith.addf %add3A_166, %mul3A_164 : vector<16xf32>
        %mul3A_168 = arith.mulf %mul3A_161, %add3A_167 : vector<16xf32>
        %add3A_169 = arith.constant 4.000000e-01 : f32
        %add3A_170 = vector.broadcast %add3A_169 : f32 to vector<16xf32>
        %add3A_171 = arith.addf %add3A_170, %mul3A_168 : vector<16xf32>
        %mul3A_172 = arith.mulf %mul3A_161, %add3A_171 : vector<16xf32>
        %add3A_173 = arith.constant 0.666666686 : f32
        %add3A_174 = vector.broadcast %add3A_173 : f32 to vector<16xf32>
        %add3A_175 = arith.addf %add3A_174, %mul3A_172 : vector<16xf32>
        %mul3A_176 = arith.mulf %mul3A_161, %add3A_175 : vector<16xf32>
        %add3A_177 = arith.constant 2.000000e+00 : f32
        %add3A_178 = vector.broadcast %add3A_177 : f32 to vector<16xf32>
        %add3A_179 = arith.addf %add3A_178, %mul3A_176 : vector<16xf32>
        %mul3A_180 = arith.constant 0.693147182 : f32
        %mul3A_181 = vector.broadcast %mul3A_180 : f32 to vector<16xf32>
        %mul3A_182 = arith.mulf %convert_element_type3A_153, %mul3A_181 : vector<16xf32>
        %mul3A_183 = arith.mulf %div3A_160, %add3A_179 : vector<16xf32>
        %add3A_184 = arith.addf %mul3A_182, %mul3A_183 : vector<16xf32>
        %add3A_185 = arith.addf %add3A_109, %add3A_184 : vector<16xf32>
        %add3A_186 = arith.constant -1.000000e+00 : f32
        %add3A_187 = vector.broadcast %add3A_186 : f32 to vector<16xf32>
        %add3A_188 = arith.addf %add3A_187, %add3A_185 : vector<16xf32>
        %div3A_189 = arith.constant -1.000000e+00 : f32
        %div3A_190 = vector.broadcast %div3A_189 : f32 to vector<16xf32>
        %div3A_191 = arith.divf %div3A_190, %add3A_188 : vector<16xf32>
        %sub3A_192 = arith.constant 1.000000e+00 : f32
        %sub3A_193 = vector.broadcast %sub3A_192 : f32 to vector<16xf32>
        %sub3A_194 = arith.subf %sub3A_193, %div3A_191 : vector<16xf32>
        %mul3A_195 = arith.constant 128 : i32
        %mul3A_196 = arith.muli %scan3A_8, %mul3A_195 : i32
        %mul3A_197 = arith.constant 16 : i32
        %mul3A_198 = arith.muli %scan3A_39, %mul3A_197 : i32
        %add3A_199 = arith.addi %mul3A_196, %mul3A_198 : i32
        %swap3A = arith.index_cast %add3A_199 : i32 to index
        %swap3A_200 = tpu.vector_load %arg13[%swap3A] {strides = array<i32>} : memref<512xf32, #tpu.memory_space<vmem>>, vector<16xf32>,
        tpu.vector_store %arg13[%swap3A], %sub3A_194 {strides = array<i32>} : memref<512xf32, #tpu.memory_space<vmem>>, vector<16xf32>,
      }
      %scan3A_32 = arith.constant 8 : i32
      %mul3A_33 = arith.constant 128 : i32
      %mul3A_34 = arith.muli %scan3A_8, %mul3A_33 : i32
      %add3A_35 = arith.addi %mul3A_2, %mul3A_34 : i32
      "tpu.region"() ({
        %run_scoped3A = tpu.sem_alloc : memref<!tpu.dma_semaphore, #tpu.memory_space<semaphore_mem>>
        %dma_start3A_39 = arith.constant 0 : i32
        %dma_start3A_40 = tpu.memref_slice %arg7[%add3A_35, %dma_start3A_39] : memref<16384x128xf32, #tpu.memory_space<hbm>> -> memref<128x128xf32, #tpu.memory_space<hbm>>
        %dma_start3A_41 = arith.constant 0 : i32
        %dma_start3A_42 = tpu.memref_slice %arg7[%add3A_35, %dma_start3A_41] : memref<16384x128xf32, #tpu.memory_space<hbm>> -> memref<128x128xf32, #tpu.memory_space<hbm>>
        tpu.enqueue_dma source(%arg11 : memref<128x128xf32, #tpu.memory_space<vmem>>) target(%dma_start3A_42 : memref<128x128xf32, #tpu.memory_space<hbm>>) target_semaphore(%run_scoped3A : memref<!tpu.dma_semaphore, #tpu.memory_space<semaphore_mem>>)
        %dma_wait3A_43 = arith.constant 0 : i32
        %dma_wait3A_44 = tpu.memref_slice %arg7[%add3A_35, %dma_wait3A_43] : memref<16384x128xf32, #tpu.memory_space<hbm>> -> memref<128x128xf32, #tpu.memory_space<hbm>>
        %dma_wait3A_45 = arith.constant 0 : i32
        %dma_wait3A_46 = tpu.memref_slice %arg7[%add3A_35, %dma_wait3A_45] : memref<16384x128xf32, #tpu.memory_space<hbm>> -> memref<128x128xf32, #tpu.memory_space<hbm>>
        tpu.wait_dma2 semaphore(%run_scoped3A : memref<!tpu.dma_semaphore, #tpu.memory_space<semaphore_mem>>) src(%arg11 : memref<128x128xf32, #tpu.memory_space<vmem>>) dst(%dma_wait3A_46 : memref<128x128xf32, #tpu.memory_space<hbm>>)
        tpu.yield
      }) : () -> ()
      %mul3A_36 = arith.constant 128 : i32
      %mul3A_37 = arith.muli %scan3A_8, %mul3A_36 : i32
      %add3A_38 = arith.addi %mul3A_2, %mul3A_37 : i32
      "tpu.region"() ({
        %run_scoped3A = tpu.sem_alloc : memref<!tpu.dma_semaphore, #tpu.memory_space<semaphore_mem>>
        %dma_start3A_39 = arith.constant 0 : i32
        %dma_start3A_40 = tpu.memref_slice %arg8[%add3A_38, %dma_start3A_39] : memref<16384x128xf32, #tpu.memory_space<hbm>> -> memref<128x128xf32, #tpu.memory_space<hbm>>
        %dma_start3A_41 = arith.constant 0 : i32
        %dma_start3A_42 = tpu.memref_slice %arg8[%add3A_38, %dma_start3A_41] : memref<16384x128xf32, #tpu.memory_space<hbm>> -> memref<128x128xf32, #tpu.memory_space<hbm>>
        tpu.enqueue_dma source(%arg12 : memref<128x128xf32, #tpu.memory_space<vmem>>) target(%dma_start3A_42 : memref<128x128xf32, #tpu.memory_space<hbm>>) target_semaphore(%run_scoped3A : memref<!tpu.dma_semaphore, #tpu.memory_space<semaphore_mem>>)
        %dma_wait3A_43 = arith.constant 0 : i32
        %dma_wait3A_44 = tpu.memref_slice %arg8[%add3A_38, %dma_wait3A_43] : memref<16384x128xf32, #tpu.memory_space<hbm>> -> memref<128x128xf32, #tpu.memory_space<hbm>>
        %dma_wait3A_45 = arith.constant 0 : i32
        %dma_wait3A_46 = tpu.memref_slice %arg8[%add3A_38, %dma_wait3A_45] : memref<16384x128xf32, #tpu.memory_space<hbm>> -> memref<128x128xf32, #tpu.memory_space<hbm>>
        tpu.wait_dma2 semaphore(%run_scoped3A : memref<!tpu.dma_semaphore, #tpu.memory_space<semaphore_mem>>) src(%arg12 : memref<128x128xf32, #tpu.memory_space<vmem>>) dst(%dma_wait3A_46 : memref<128x128xf32, #tpu.memory_space<hbm>>)
        tpu.yield
      }) : () -> ()
    }
    %scan3A_7 = arith.constant 4 : i32
    "tpu.region"() ({
      %run_scoped3A = tpu.sem_alloc : memref<!tpu.dma_semaphore, #tpu.memory_space<semaphore_mem>>
      %dma_start3A = tpu.memref_slice %arg6[%mul3A_2] : memref<16384xf32, #tpu.memory_space<hbm>> -> memref<512xf32, #tpu.memory_space<hbm>>
      %dma_start3A_8 = tpu.memref_slice %arg6[%mul3A_2] : memref<16384xf32, #tpu.memory_space<hbm>> -> memref<512xf32, #tpu.memory_space<hbm>>
      tpu.enqueue_dma source(%arg13 : memref<512xf32, #tpu.memory_space<vmem>>) target(%dma_start3A_8 : memref<512xf32, #tpu.memory_space<hbm>>) target_semaphore(%run_scoped3A : memref<!tpu.dma_semaphore, #tpu.memory_space<semaphore_mem>>)
      %dma_wait3A = tpu.memref_slice %arg6[%mul3A_2] : memref<16384xf32, #tpu.memory_space<hbm>> -> memref<512xf32, #tpu.memory_space<hbm>>
      %dma_wait3A_9 = tpu.memref_slice %arg6[%mul3A_2] : memref<16384xf32, #tpu.memory_space<hbm>> -> memref<512xf32, #tpu.memory_space<hbm>>
      tpu.wait_dma2 semaphore(%run_scoped3A : memref<!tpu.dma_semaphore, #tpu.memory_space<semaphore_mem>>) src(%arg13 : memref<512xf32, #tpu.memory_space<vmem>>) dst(%dma_wait3A_9 : memref<512xf32, #tpu.memory_space<hbm>>)
      tpu.yield
    }) : () -> ()
    return
  }
}

</mosaic_0001>

<sc_bundles>
// kernel: kernel.3.cloned.1.call-start
scs
__scs_entry_jumppad:
0x0: {  	(pc) =	sbr.rel $0x88, $3  }
0x1: {  	(tag) =	ssettag $0x0;
	lr =	simm.s32 $0x1  }
0x2: {  	[smem:$0x3F9D] =	sst lr;
	_ =	strace $0xD0000000  }
0x3: {  	_ = 	snop  }
0x4: {  	_ = 	snop  }
0x5: {  	_ = 	snop  }
0x6: {  	_ = 	snop  }
0x7: {  	_ = 	snop  }
__scs_overlays_trampoline_lowered:
0x8: {  	[smem:$0x3FAC] =	sst s0  }
0x9: {  	[smem:$0x3FAD] =	sst s1  }
0xa: {  	[smem:$0x3FAE] =	sst s2  }
0xb: {  	[smem:$0x3FAF] =	sst s3  }
0xc: {  	[smem:$0x3FB0] =	sst s4  }
0xd: {  	[smem:$0x3FB1] =	sst s5  }
0xe: {  	[smem:$0x3FB2] =	sst s6  }
0xf: {  	[smem:$0x3FB3] =	sst s7  }
0x10: {  	[smem:$0x3FB4] =	sst s8  }
0x11: {  	[smem:$0x3FB5] =	sst s9;
	s0 =	simm.s32 @!p0 $0x0  }
0x12: {  	s1 =	sld [smem:$0x3F9B];
	s0 =	simm.s32 @p0 $0x1  }
0x13: {  	[smem:$0x3FB6] =	sst s0;
	s0 =	simm.s32 @!p1 $0x0  }
0x14: {  	s2 =	sld [smem:$0x3F9A];
	s0 =	simm.s32 @p1 $0x1  }
0x15: {  	[smem:$0x3FB7] =	sst s0;
	s0 =	simm.s32 @!p2 $0x0  }
0x16: {  	s3 =	sld [smem:$0x3FDB];
	s0 =	simm.s32 @p2 $0x1  }
0x17: {  	s4 =	simm.s32 $0x1BF5;
	[smem:$0x3FB9] =	sst s0  }
0x18: {  	s0 =	sld [smem:$0x3F9C];
	_ =	swait.ge [sflag:s4], $0x0  }
0x19: {  	s7 =	sld [smem:$0x3F9D]  }
0x1a: {  	s8 =	sadd.s32 $0xFFFFE003, lr  }
0x1b: {  	s9 =	sadd.s32 $0xFFFFFEF7, lr;
	s5 =	simm.s32 $0xFFFFFFFF;
	p2 =	slt.u32 s8, $0xFFFFF086  }
0x1c: {  	p1 =	slt.u32 s9, $0xF7A;
	s5 =	simm.s32 @!p2 $0x0  }
0x1d: {  	s5 =	simm.s32 @p1 $0x1;
	p0 =	seq.s32 s7, s2  }
0x1e: {  	s7 =	smul.u32 @!p0 $0xF7A, s2;
	p2 =	seq.s32 @!p0 s5, $0x0  }
0x1f: {  	s9 =	smul.u32 $0xF7A, s1;
	s8 =	simm.s32 @!p0 $0x1BF5;
	p2 =	por !p2, p0  }
0x20: {  	[sflag:s8] =	ssyncset.s32 @!p0 $0xFFFFF086;
	s6 =	sadd.s32 @!p0 s3, s7;
	s7 =	simm.s32 @!p0 $0x108  }
0x21: {  	s3 =	sadd.s32 s3, s9;
	s6 =	sadd.s32 @!p0 $0x88, s6;
	s7 =	simm.s32 @p2 $0x1082  }
0x22: {  	[simem:s7], [sflag:s8] =	dma.local @!p0 [hbm:s6], $0xF7A  }
0x23: {  	s9 =	sor.u32 $0xD0000000, s2;
	s6 =	simm.s32 $0x108;
	_ =	swait.ge @!p0 [sflag:s8], $0x0  }
0x24: {  	s3 =	sadd.s32 $0x88, s3;
	s6 =	simm.s32 @!p1 $0x1082;
	[sflag:s4] =	ssyncset.s32 $0xFFFFF086  }
0x25: {  	[simem:s6], [sflag:s4] =	dma.local [hbm:s3], $0xF7A  }
0x26: {  	[smem:$0x3F9D] =	sst s1;
	(tag) =	ssettag s2;
	_ =	strace s9  }
0x27: {  	s1 =	sld [smem:$0x3FAD]  }
0x28: {  	s2 =	sld [smem:$0x3FAE]  }
0x29: {  	s4 =	sld [smem:$0x3FB0]  }
0x2a: {  	p0 =	seq.s32 s5, $0x0;
	s5 =	sld [smem:$0x3FB1]  }
0x2b: {  	s6 =	sld [smem:$0x3FB2]  }
0x2c: {  	s7 =	sld [smem:$0x3FB3]  }
0x2d: {  	s3 =	simm.s32 $0x108;
	s8 =	sld [smem:$0x3FB4]  }
0x2e: {  	s3 =	simm.s32 @!p0 $0x1082;
	s9 =	sld [smem:$0x3FB5]  }
0x2f: {  	lr =	sadd.s32 s0, s3;
	s0 =	sld [smem:$0x3FAC]  }
0x30: {  	s3 =	sld [smem:$0x3FAF]  }
0x31: {  	[smem:$0x3FB8] =	sst s10  }
0x32: {  	s10 =	sld [smem:$0x3FB6];
	_ =	sdelay $0x3  }
0x33: {  	p0 =	seq.s32 s10, $0x1;
	s10 =	sld [smem:$0x3FB8];
	_ =	sdelay $0x3  }
0x34: {  	[smem:$0x3FB8] =	sst s10  }
0x35: {  	s10 =	sld [smem:$0x3FB7];
	_ =	sdelay $0x3  }
0x36: {  	p1 =	seq.s32 s10, $0x1;
	s10 =	sld [smem:$0x3FB8];
	_ =	sdelay $0x3  }
0x37: {  	[smem:$0x3FB8] =	sst s10  }
0x38: {  	s10 =	sld [smem:$0x3FB9]  }
0x39: {  	_ = 	snop;
	(pc) =	sbr.ind lr, $3  }
0x3a: {  	_ = 	snop  }
0x3b: {  	_ = 	snop  }
0x3c: {  	p2 =	seq.s32 s10, $0x1;
	s10 =	sld [smem:$0x3FB8]  }
0x3d: {  	_ =	shalt  }
0x3e: {  	_ =	shalt  }
0x3f: {  	_ =	shalt  }
0x40: {  	_ =	shalt  }
0x41: {  	_ =	shalt  }
0x42: {  	_ =	shalt  }
0x43: {  	_ =	shalt  }
0x44: {  	_ =	shalt  }
0x45: {  	_ =	shalt  }
0x46: {  	_ =	shalt  }
0x47: {  	_ =	shalt  }
0x48: {  	_ =	shalt  }
0x49: {  	_ =	shalt  }
0x4a: {  	_ =	shalt  }
0x4b: {  	_ =	shalt  }
0x4c: {  	_ =	shalt  }
0x4d: {  	_ =	shalt  }
0x4e: {  	_ =	shalt  }
0x4f: {  	_ =	shalt  }
0x50: {  	_ =	shalt  }
0x51: {  	_ =	shalt  }
0x52: {  	_ =	shalt  }
0x53: {  	_ =	shalt  }
0x54: {  	_ =	shalt  }
0x55: {  	_ =	shalt  }
0x56: {  	_ =	shalt  }
0x57: {  	_ =	shalt  }
0x58: {  	_ =	shalt  }
0x59: {  	_ =	shalt  }
0x5a: {  	_ =	shalt  }
0x5b: {  	_ =	shalt  }
0x5c: {  	_ =	shalt  }
0x5d: {  	_ =	shalt  }
0x5e: {  	_ =	shalt  }
0x5f: {  	_ =	shalt  }
0x60: {  	_ =	shalt  }
0x61: {  	_ =	shalt  }
0x62: {  	_ =	shalt  }
0x63: {  	_ =	shalt  }
0x64: {  	_ =	shalt  }
0x65: {  	_ =	shalt  }
0x66: {  	_ =	shalt  }
0x67: {  	_ =	shalt  }
0x68: {  	_ =	shalt  }
0x69: {  	_ =	shalt  }
0x6a: {  	_ =	shalt  }
0x6b: {  	_ =	shalt  }
0x6c: {  	_ =	shalt  }
0x6d: {  	_ =	shalt  }
0x6e: {  	_ =	shalt  }
0x6f: {  	_ =	shalt  }
0x70: {  	_ =	shalt  }
0x71: {  	_ =	shalt  }
0x72: {  	_ =	shalt  }
0x73: {  	_ =	shalt  }
0x74: {  	_ =	shalt  }
0x75: {  	_ =	shalt  }
0x76: {  	_ =	shalt  }
0x77: {  	_ =	shalt  }
0x78: {  	_ =	shalt  }
0x79: {  	_ =	shalt  }
0x7a: {  	_ =	shalt  }
0x7b: {  	_ =	shalt  }
0x7c: {  	_ =	shalt  }
0x7d: {  	_ =	shalt  }
0x7e: {  	_ =	shalt  }
0x7f: {  	_ =	shalt  }
0x80: {  	_ =	shalt  }
0x81: {  	_ =	shalt  }
0x82: {  	_ =	shalt  }
0x83: {  	_ =	shalt  }
0x84: {  	_ =	shalt  }
0x85: {  	_ =	shalt  }
0x86: {  	_ =	shalt  }
0x87: {  	_ =	shalt  }
.Lfunc_end0:
.L_simem_size_0:
called_computation_lowered:
.L_overlay_start_0:
0x88: {  	s2 =	sld [smem:$0x3FD9]  }
0x89: {  	s3 =	sld [smem:$0x3FFE];
	_ =	sdelay $0x1  }
0x8a: {  	s1 =	srdreg.scid  }
0x8b: {  	s0 =	sand.u32 $0x1, s1  }
0x8c: {  	s14 =	sshll.u32 s0, $0xA;
	s2 =	sadd.s32 s3, s2  }
0x8d: {  	s2 =	sadd.s32 s2, s14  }
0x8e: {  	[smem:$0x3FC4] =	sst s2  }
0x8f: {  	_ = 	snop  }
0x90: {  	s2 =	sld [smem:$0x3FD0];
	_ =	sdelay $0x1  }
0x91: {  	s15 =	sld [smem:$0x3FC9]  }
0x92: {  	s5 =	simm.s32 $0xA;
	s6 =	simm.s32 $0x10;
	s4 =	sld [smem:$0x3FC8]  }
0x93: {  	[smem:s6], [sflag:s5] =	dma.local [hbm:s2], $0x1  }
0x94: {  	_ =	swait.eq [sflag:s5], $0x1  }
0x95: {  	[sflag:s5] =	ssyncset.done $0x0  }
0x96: {  	[sflag:s5] =	ssyncadd.s32 $0xFFFFFFFF  }
0x97: {  	s16 =	sld [smem:$0x10];
	(tm) =	ssettm $0x1  }
0x98: {  	s17 =	sld [smem:$0x3FFB];
	_ =	sdelay $0x3  }
0x99: {  	_ =	strace s17  }
0x9a: {  	s5 =	sld [smem:$0x3FFC];
	_ =	sdelay $0x3  }
0x9b: {  	_ =	strace s5  }
0x9c: {  	s5 =	sld [smem:$0x3FFD];
	_ =	sdelay $0x3  }
0x9d: {  	_ =	strace s5  }
0x9e: {  	_ =	strace $0x8FFFFFFF  }
0x9f: {  	s18 =	sld [smem:$0x3FDB];
	_ =	sdelay $0x1  }
0xa0: {  	s19 =	simm.s32 $_scs_section_size  }
0xa1: {  	s7 =	simm.s32 $_size__tile_overlayer_lowered;
	s8 =	simm.s32 $_tile_overlayer_lowered  }
0xa2: {  	s22 =	simm.s32 $0x1BFF;
	s21 =	sshll.u32 s8, $0x1;
	s5 =	sadd.s32 s19, s18  }
0xa3: {  	s9 =	simm.s32 $0x0;
	s20 =	sshll.u32 s7, $0x1;
	s7 =	sadd.s32 s21, s5  }
0xa4: {  	[timem:s9], [sflag:s22] =	dma.local [hbm:s7], s20  }
0xa5: {  	_ =	swait.ge [sflag:s22], s20  }
0xa6: {  	s6 =	ssub.s32 $0x0, s20;
	[sflag:s22] =	ssyncset.done $0x0  }
0xa7: {  	[sflag:s22] =	ssyncadd.s32 s6;
	_ =	sdelay $0x1  }
0xa8: {  	s23 =	simm.s32 $0x1B8B  }
0xa9: {  	_ =	swait.ge [sflag:s23], $0x1  }
0xaa: {  	[sflag:s23] =	ssyncset.done $0x0  }
0xab: {  	s25 =	simm.s32 $0x1B8E;
	s24 =	sld [smem:$0x3FFE];
	[sflag:s23] =	ssyncadd.s32 $0xFFFFFFFF  }
0xac: {  	s26 =	simm.s32 $execute0_lowered;
	[smem:$0x3FD2] =	sst s25  }
0xad: {  	s7 =	sshll.u32 s26, $0x1;
	_ =	strace $0x80000046;
	[dreg:$0x1] =	wrdreg $0xFFFFFFFF  }
0xae: {  	s28 =	simm.s32 $_size_execute0_lowered;
	s5 =	sadd.s32 s5, s7;
	[dreg:$0x0] =	wrdreg $0x0  }
0xaf: {  	s7 =	sshll.u32 s28, $0x1;
	[dreg:$0x2] =	wrdreg s5  }
0xb0: {  	[dreg:$0x3] =	wrdreg s7  }
0xb1: {  	[dreg:$0x4] =	wrdreg $0xC0  }
0xb2: {  	_ =	task [dreg:s9], $0x5FFFF  }
0xb3: {  	[dreg:$0x1] =	wrdreg $0xFFFFFFFF  }
0xb4: {  	[dreg:$0x0] =	wrdreg $0x60  }
0xb5: {  	[dreg:$0x2] =	wrdreg s15  }
0xb6: {  	[dreg:$0x3] =	wrdreg s4  }
0xb7: {  	[dreg:$0x4] =	wrdreg s24  }
0xb8: {  	[dreg:$0x5] =	wrdreg s16  }
0xb9: {  	[dreg:$0x6] =	wrdreg $0x9  }
0xba: {  	_ =	task.clear_ibuf [dreg:s9], $0x7FFFF;
	_ =	strace $0x90000046  }
0xbb: {  	s29 =	simm.s32 $0x9;
	_ =	strace $0x80000048  }
0xbc: {  	_ =	swait.ge [sflag:s29], $0x1  }
0xbd: {  	[sflag:s29] =	ssyncadd.s32 $0xFFFFFFFF  }
0xbe: {  	_ =	strace $0x90000048  }
0xbf: {  	_ =	sfence  }
0xc0: {  	s30 =	sld [smem:$0x0];
	_ =	sdelay $0x2  }
0xc1: {  	s31 =	sshll.u32 s1, $0xD;
	s1 =	sshrl.u32 s1, $0x2  }
0xc2: {  	s3 =	sand.u32 $0x4000, s31;
	s1 =	sadd.s32 s1, s30  }
0xc3: {  	s0 =	sor.u32 s3, s0;
	s1 =	sshll.u32 s1, $0x11  }
0xc4: {  	s0 =	sor.u32 s1, s0  }
0xc5: {  	s0 =	sadd.s32 $0x8F2B, s0  }
0xc6: {  	[sflag:s0] =	ssyncadd.remote.s32 $0x1  }
0xc7: {  	_ =	sfence.sel $0xFFFF  }
0xc8: {  	[dreg:$0x0] =	wrdreg $0xFFFFFFFF;
	(pc) =	sbr.abs _section_cstart, $3  }
0xc9: {  	[dreg:$0x1] =	wrdreg $0xFFFFFFFF  }
0xca: {  	_ =	task.clear_ibuf [dreg:s9], $0x2FFFF;
	_ =	strace $0x9FFFFFFF  }
0xcb: {  	(tm) =	ssettm $0x7FFFFFFF  }
tec
execute0_lowered:
.L_overlay_start_1:
0x0: {  	(tag) =	ssettag $0x1  }
0x1: {  	s0 =	rddreg [dreg:$0x0]  }
0x2: {  	s9 =	rddreg [dreg:$0x1]  }
0x3: {  	s7 =	rddreg [dreg:$0x2]  }
0x4: {  	s10 =	rddreg [dreg:$0x3]  }
0x5: {  	s1 =	simm.s32 $0x0;
	s5 =	srdreg.scid;
	s2 =	stileid.u32  }
0x6: {  	s13 =	simm.s32 $0x200;
	s14 =	simm.s32 $0x80;
	s15 =	simm.s32 $0x400  }
0x7: {  	s16 =	simm.s32 $0x4400;
	s17 =	simm.s32 $0x1;
	s18 =	simm.s32 $0x8400  }
0x8: {  	s19 =	simm.s32 $0x0;
	s22 =	simm.s32 $0x0;
	[smem:$0x7FF] =	sst s1  }
0x9: {  	s3 =	sadd.s32 $0x1E85000, s7;
	s4 =	sadd.s32 $0x800, s7;
	s5 =	sand.u32 $0x1, s5  }
0xa: {  	s6 =	sshll.u32 s2, $0xA;
	_ =	strace $0x80000047;
	s11 =	sshll.u32 s5, $0x9  }
0xb: {  	s8 =	ssub.s32 $0x2, s5;
	s5 =	sadd.s32 $0xF42C00, s7;
	s6 =	sor.u32 s11, s6  }
0xc: {  	s7 =	sadd.s32 $0xF82C00, s7;
	s12 =	sshrl.u32 s8, $0x1;
	s31 =	sshrl.u32 s6, $0x3  }
0xd: {  	s30 =	ssub.s32 s8, s12;
	s12 =	simm.s32 $0x2;
	s8 =	sadd.s32 s0, s31  }
0xe: {  	v0 =	vlaneseq.u32;
	v1 =	vimm.s32 $0x0;
	s9 =	sadd.s32 s9, s31;
	s10 =	sadd.s32 s10, s31;
	s11 =	smax.u32 s30, $0x1  }
.LBB2_1:
0xf: {  	[tilespmem:s1], [sflag:$0x2] =	stream.linear.gather [hbm4b:s8+s1], $0x200, $0x38;
	[tilespmem:$0x8600] =	vst v63  }
0x10: {  	_ =	swait.ge [sflag:s12], $0x200  }
0x11: {  	[sflag:s12] =	ssyncset.done $0x0  }
0x12: {  	[sflag:s12] =	ssyncadd.s32 $0xFFFFFE00  }
0x13: {  	[tilespmem:s13], [sflag:$0x2] =	stream.linear.gather [hbm4b:s9+s1], $0x200, $0x38;
	[tilespmem:$0x8600] =	vst v63  }
0x14: {  	_ =	swait.ge [sflag:s12], $0x200  }
0x15: {  	[sflag:s12] =	ssyncset.done $0x0  }
0x16: {  	s20 =	simm.s32 $0x0;
	[sflag:s12] =	ssyncadd.s32 $0xFFFFFE00  }
.LBB2_2:
0x17: {  	s21 =	sshll.u32 s20, $0x7  }
0x18: {  	[tilespmem:s15], [sflag:$0x1] =	stream.indirect.gather [hbm4b:s3+s14], $0x80, s21, s14, $0xb8;
	[tilespmem:$0x8600] =	vst v63  }
0x19: {  	s0 =	sadd.s32 $0x200, s21  }
0x1a: {  	[tilespmem:s16], [sflag:$0x1] =	stream.indirect.gather [hbm4b:s4+s14], $0x80, s0, s14, $0xb8;
	[tilespmem:$0x8600] =	vst v63  }
0x1b: {  	_ =	swait.ge [sflag:s17], $0x4000  }
0x1c: {  	[sflag:s17] =	ssyncset.done $0x0  }
0x1d: {  	[sflag:s17] =	ssyncadd.s32 $0xFFFFC000  }
0x1e: {  	_ =	swait.ge [sflag:s17], $0x4000  }
0x1f: {  	s23 =	simm.s32 $0x4410;
	s31 =	sadd.s32 $0x8400, s21;
	[sflag:s17] =	ssyncset.done $0x0  }
0x20: {  	s24 =	simm.s32 $0x420;
	s25 =	simm.s32 $0x0;
	v2 =	vmov s31;
	[sflag:s17] =	ssyncadd.s32 $0xFFFFC000  }
.LBB2_3:
0x21: {  	v3 =	vld [tilespmem:s23+$0xFFFFFFF0]  }
0x22: {  	v4 =	vld [tilespmem:s23+$0x0]  }
0x23: {  	v5 =	vld [tilespmem:s24+$0x0]  }
0x24: {  	v6 =	vld [tilespmem:s24+$0x10];
	_ =	sdelay $0x1  }
0x25: {  	v7 =	vld [tilespmem:s24+$0xFFFFFFE0]  }
0x26: {  	v8 =	vld [tilespmem:s24+$0xFFFFFFF0];
	s0 =	sadd.s32 $0x80, s23  }
0x27: {  	v9 =	vld [tilespmem:s0+$0xFFFFFFF0]  }
0x28: {  	s26 =	sadd.s32 $0x80, s24;
	v10 =	vld [tilespmem:s0+$0x0];
	v5 =	vmul.f32 v5, v3;
	v6 =	vmul.f32 v6, v4  }
0x29: {  	v11 =	vld [tilespmem:s26+$0x0]  }
0x2a: {  	v12 =	vld [tilespmem:s26+$0x10];
	v5 =	vadd.f32 v6, v5  }
0x2b: {  	v13 =	vld [tilespmem:s26+$0xFFFFFFE0];
	s0 =	sadd.s32 $0x80, s0  }
0x2c: {  	v14 =	vld [tilespmem:s0+$0xFFFFFFF0];
	(xrf2) =	vadd.scan.msk.f32 $0xffff, v5  }
0x2d: {  	v6 =	vld [tilespmem:s26+$0xFFFFFFF0];
	s26 =	sadd.s32 $0x80, s26  }
0x2e: {  	v3 =	vmul.f32 v7, v3;
	v4 =	vmul.f32 v8, v4;
	v15 =	vld [tilespmem:s26+$0x0]  }
0x2f: {  	v16 =	vld [tilespmem:s26+$0x10]  }
0x30: {  	v3 =	vadd.f32 v4, v3;
	v7 =	vld [tilespmem:s26+$0xFFFFFFF0]  }
0x31: {  	v11 =	vmul.f32 v11, v9;
	v12 =	vmul.f32 v12, v10;
	v5 =	vld [tilespmem:s0+$0x0]  }
0x32: {  	v9 =	vmul.f32 v13, v9;
	(xrf2) =	vadd.scan.msk.f32 $0xffff, v3;
	v10 =	vmul.f32 v6, v10  }
0x33: {  	v11 =	vadd.f32 v12, v11  }
0x34: {  	v17 =	vld [tilespmem:s26+$0xFFFFFFE0];
	s0 =	sadd.s32 $0x80, s0;
	v18 =	vadd.f32 v10, v9  }
0x35: {  	v8 =	vld [tilespmem:s0+$0xFFFFFFF0];
	(xrf2) =	vadd.scan.msk.f32 $0xffff, v11;
	v13 =	vmul.f32 v15, v14  }
0x36: {  	s30 =	sadd.s32 $0x80, s26;
	v4 =	vld [tilespmem:s0+$0x0];
	v16 =	vmul.f32 v16, v5;
	v15 =	vmul.f32 v7, v5;
	v5, _, _ =	vpop (xrf2);
	(xrf2) =	vadd.scan.msk.f32 $0xffff, v18  }
0x37: {  	v6 =	vld [tilespmem:s30+$0x0]  }
0x38: {  	v9 =	vld [tilespmem:s30+$0x10]  }
0x39: {  	s29 =	simm.s32 $0x1;
	s28 =	simm.s32 $0x3;
	v3 =	vimm.f32 $0.0e+00;
	v12 =	vmul.f32 v17, v14;
	v10 =	vld [tilespmem:s30+$0xFFFFFFE0];
	v13 =	vadd.f32 v16, v13  }
0x3a: {  	s31 =	simm.s32 $0x4;
	s26 =	simm.s32 $0x2;
	s0 =	sadd.s32 $0x80, s0;
	v11 =	vld [tilespmem:s30+$0xFFFFFFF0];
	v14 =	vmov s22;
	v7 =	vimm.f32 $0.0e+00;
	v5 =	vbroadcast v5, $0xF  }
.LBB2_4:
0x3b: {  	v16 =	vld [tilespmem:s0+$0xFFFFFFF0];
	v15 =	vadd.f32 v15, v12;
	(xrf2) =	vadd.scan.msk.f32 $0xffff, v13;
	vm0 =	veq.s32 v14, v0;
	v13 =	vmov v4;
	s2 =	smov.u32 s28;
	s28 =	smov.u32 s31;
	p0 =	sne.s32 s31, $0xF  }
.Ltmp0:
0x3c: {  	s30 =	sadd.s32 $0x80, s30;
	v4 =	vld [tilespmem:s0+$0x0];
	v3 =	vsel vm0, v5, v3;
	v5, _, _ =	vpop (xrf2);
	(pc) =	sbr.rel @p0 .LBB2_4-.Ltmp0, $4  }
0x3d: {  	v14 =	vmul.f32 v6, v8;
	v6 =	vld [tilespmem:s30+$0x0];
	v17 =	vmul.f32 v9, v13  }
0x3e: {  	s31 =	sadd.s32 $0x1, s31;
	v18 =	vbroadcast v5, $0xF;
	v9 =	vld [tilespmem:s30+$0x10];
	v12 =	vmul.f32 v10, v8;
	(xrf2) =	vadd.scan.msk.f32 $0xffff, v15  }
0x3f: {  	v10 =	vld [tilespmem:s30+$0xFFFFFFE0];
	v15 =	vmul.f32 v11, v13;
	v13 =	vadd.f32 v17, v14;
	v5, _, _ =	vpop (xrf2)  }
0x40: {  	s0 =	sadd.s32 $0x80, s0;
	v14 =	vmov s29;
	v7 =	vsel vm0, v18, v7;
	s29 =	smov.u32 s26;
	s26 =	smov.u32 s2;
	v11 =	vld [tilespmem:s30+$0xFFFFFFF0];
	v5 =	vbroadcast v5, $0xF;
	v8 =	vmovc v16  }
0x41: {  	_ =	sdelay $0x2  }
0x42: {  	v6 =	vmul.f32 v6, v8;
	v9 =	vmul.f32 v9, v4  }
0x43: {  	v12 =	vadd.f32 v15, v12;
	v34 =	vmul.f32 v10, v8;
	v35 =	vmul.f32 v11, v4  }
0x44: {  	(xrf2) =	vadd.scan.msk.f32 $0xffff, v13;
	v6 =	vadd.f32 v9, v6  }
0x45: {  	(xrf2) =	vadd.scan.msk.f32 $0xffff, v12;
	v4 =	vadd.f32 v35, v34  }
0x46: {  	(xrf2) =	vadd.scan.msk.f32 $0xffff, v6  }
0x47: {  	(xrf2) =	vadd.scan.msk.f32 $0xffff, v4;
	_ =	sdelay $0x3  }
0x48: {  	v36, _, _ =	vpop (xrf2)  }
0x49: {  	v37, _, _ =	vpop (xrf2)  }
0x4a: {  	v38, _, _ =	vpop (xrf2)  }
0x4b: {  	v39, _, _ =	vpop (xrf2)  }
0x4c: {  	vm0 =	veq.s32 v14, v0;
	v40 =	vmov s29;
	v4 =	vbroadcast v36, $0xF;
	v41, _, _ =	vpop (xrf2)  }
0x4d: {  	v43 =	vmov s26;
	v46 =	vmov s28;
	v8 =	vbroadcast v38, $0xF;
	v42, _, _ =	vpop (xrf2)  }
0x4e: {  	vm1 =	veq.s32 v40, v0;
	v4 =	vsel vm0, v4, v7;
	v44 =	vbroadcast v41, $0xF;
	v45, _, _ =	vpop (xrf2)  }
0x4f: {  	vm2 =	veq.s32 v43, v0;
	v4 =	vsel vm1, v8, v4;
	v11 =	vbroadcast v45, $0xF  }
0x50: {  	vm3 =	veq.s32 v46, v0;
	v4 =	vsel vm2, v44, v4  }
0x51: {  	v4 =	vsel vm3, v11, v4  }
0x52: {  	v4 =	vsub.f32 $0.0e+00, v4;
	_ =	sdelay $0x1  }
0x53: {  	v4 =	vmul.f32 $1.442695020e+00, v4;
	_ =	sdelay $0x1  }
0x54: {  	(erf) = vpow2.f32 v4;
	_ =	sdelay $0x8  }
0x55: {  	v4 =	vpop (erf)  }
0x56: {  	v4 =	vadd.f32 $1.000000000e+00, v4;
	_ =	sdelay $0x1  }
0x57: {  	(erf) = vrcp.f32 v4;
	_ =	sdelay $0x8  }
0x58: {  	v4 =	vpop (erf)  }
0x59: {  	v4 =	vsub.f32 $1.000000000e+00, v4;
	_ =	sdelay $0x1  }
0x5a: {  	v4 =	vadd.f32 $9.999946100e-41, v4  }
0x5b: {  	v6 =	vbroadcast v37, $0xF  }
0x5c: {  	v3 =	vsel vm0, v5, v3;
	v47 =	vbroadcast v39, $0xF;
	v48 =	vand.u32 $0x7FFFFF, v4  }
0x5d: {  	v3 =	vsel vm1, v6, v3;
	v49 =	vbroadcast v42, $0xF;
	v50 =	vor.u32 $0x3F800000, v48  }
0x5e: {  	v3 =	vsel vm2, v47, v3;
	v51 =	vmul.f32 $5.000000000e-01, v50  }
0x5f: {  	v3 =	vsel vm3, v49, v3;
	vm14 =	vgt.f32 v50, $1.414213540e+00  }
0x60: {  	v3 =	vsub.f32 $0.0e+00, v3;
	v5 =	vsel vm14, v51, v50  }
0x61: {  	v52 =	vadd.f32 $1.000000000e+00, v5  }
0x62: {  	v3 =	vmul.f32 $1.442695020e+00, v3  }
0x63: {  	(erf) = vrcp.f32 v52  }
0x64: {  	(erf) = vpow2.f32 v3;
	_ =	sdelay $0x7  }
0x65: {  	v3 =	vpop (erf)  }
0x66: {  	v53 =	vpop (erf)  }
0x67: {  	v6 =	vadd.f32 $1.000000000e+00, v53;
	_ =	sdelay $0x1  }
0x68: {  	(erf) = vrcp.f32 v6;
	_ =	sdelay $0x8  }
0x69: {  	v6 =	vpop (erf)  }
0x6a: {  	v6 =	vsub.f32 $1.000000000e+00, v6;
	_ =	sdelay $0x1  }
0x6b: {  	v6 =	vadd.f32 $9.999946100e-41, v6;
	_ =	sdelay $0x1  }
0x6c: {  	v54 =	vand.u32 $0x7FFFFF, v6  }
0x6d: {  	v7 =	vor.u32 $0x3F800000, v54  }
0x6e: {  	v55 =	vmul.f32 $5.000000000e-01, v7  }
0x6f: {  	vm15 =	vgt.f32 v7, $1.414213540e+00  }
0x70: {  	v7 =	vsel vm15, v55, v7  }
0x71: {  	v8 =	vadd.f32 $1.000000000e+00, v7;
	_ =	sdelay $0x1  }
0x72: {  	(erf) = vrcp.f32 v8;
	_ =	sdelay $0x6  }
0x73: {  	v5 =	vadd.f32 $-1.000000000e+00, v5  }
0x74: {  	v7 =	vadd.f32 $-1.000000000e+00, v7  }
0x75: {  	v3 =	vmul.f32 v3, v5;
	v56 =	vpop (erf)  }
0x76: {  	v5 =	vmul.f32 v56, v7  }
0x77: {  	v57 =	vmul.f32 v3, v3  }
0x78: {  	v58 =	vmul.f32 v5, v5  }
0x79: {  	v59 =	vmul.f32 $2.222222240e-01, v57  }
0x7a: {  	v60 =	vmul.f32 $2.222222240e-01, v58  }
0x7b: {  	v9 =	vadd.f32 $2.857142980e-01, v59  }
0x7c: {  	v10 =	vadd.f32 $2.857142980e-01, v60  }
0x7d: {  	v9 =	vmul.f32 v9, v57  }
0x7e: {  	v10 =	vmul.f32 v10, v58  }
0x7f: {  	v9 =	vadd.f32 $4.000000060e-01, v9  }
0x80: {  	v10 =	vadd.f32 $4.000000060e-01, v10  }
0x81: {  	v9 =	vmul.f32 v9, v57  }
0x82: {  	v4 =	vshrl.u32 v4, $0x17;
	v61 =	vsel vm14, $0x1, v1;
	v10 =	vmul.f32 v10, v58  }
0x83: {  	v4 =	vadd.s32 v61, v4;
	v9 =	vadd.f32 $6.666666860e-01, v9  }
0x84: {  	v6 =	vshrl.u32 v6, $0x17;
	v62 =	vsel vm15, $0x1, v1;
	v10 =	vadd.f32 $6.666666860e-01, v10  }
0x85: {  	v4 =	vadd.s32 $0xFFFFFF81, v4;
	v6 =	vadd.s32 v62, v6  }
0x86: {  	v6 =	vadd.s32 $0xFFFFFF81, v6;
	v7 =	vmul.f32 v9, v57;
	v8 =	vmul.f32 v10, v58  }
0x87: {  	v4 =	vcvt.s32.f32 v4;
	v6 =	vcvt.s32.f32 v6  }
0x88: {  	v7 =	vadd.f32 $2.000000000e+00, v7;
	v8 =	vadd.f32 $2.000000000e+00, v8  }
0x89: {  	v4 =	vmul.f32 $6.931471820e-01, v4;
	v6 =	vmul.f32 $6.931471820e-01, v6  }
0x8a: {  	v3 =	vmul.f32 v7, v3;
	v5 =	vmul.f32 v8, v5;
	_ =	sdelay $0x1  }
0x8b: {  	v3 =	vadd.f32 v3, v4;
	v63 =	vadd.f32 v5, v6;
	_ =	sdelay $0x1  }
0x8c: {  	v3 =	vadd.f32 v63, v3;
	_ =	sdelay $0x1  }
0x8d: {  	v3 =	vadd.f32 $-1.000000000e+00, v3;
	_ =	sdelay $0x1  }
0x8e: {  	(erf) = vrcp.f32 v3;
	_ =	sdelay $0x5  }
0x8f: {  	s0 =	sshll.u32 s25, $0x4;
	s25 =	sadd.s32 $0x1, s25  }
0x90: {  	p0 =	sne.s32 s25, $0x8  }
.Ltmp1:
0x91: {  	_ = 	snop;
	(pc) =	sbr.rel @p0 .LBB2_3-.Ltmp1, $4  }
0x92: {  	v3 =	vpop (erf)  }
0x93: {  	v3 =	vadd.f32 $1.000000000e+00, v3  }
0x94: {  	s0 =	sand.u32 $0x3FFFFFF0, s0  }
0x95: {  	s23 =	sadd.s32 $0x800, s23;
	s24 =	sadd.s32 $0x800, s24;
	[tilespmem:v2+s0+$0x0 ss:$0x1] =	vst.idx.msk $0xffff, v3  }
0x96: {  	s0 =	sor.u32 s6, s21  }
0x97: {  	s0 =	sshll.u32 s0, $0x4  }
0x98: {  	s2 =	sadd.s32 s5, s0  }
0x99: {  	[hbm4b:s2+s1] =	stream.linear.scatter [tilespmem:s15], [sflag:$0x2], $0x4000, $0x38;
	[tilespmem:$0x8600] =	vst v63  }
0x9a: {  	s20 =	sadd.s32 $0x1, s20;
	_ =	swait.ge [sflag:s12], $0x4000  }
0x9b: {  	p0 =	sne.s32 s20, $0x4;
	[sflag:s12] =	ssyncset.done $0x0  }
.Ltmp2:
0x9c: {  	s0 =	sadd.s32 s7, s0;
	[sflag:s12] =	ssyncadd.s32 $0xFFFFC000;
	(pc) =	sbr.rel @p0 .LBB2_2-.Ltmp2, $4  }
0x9d: {  	[hbm4b:s0+s1] =	stream.linear.scatter [tilespmem:s16], [sflag:$0x2], $0x4000, $0x38;
	[tilespmem:$0x8600] =	vst v63  }
0x9e: {  	_ =	swait.ge [sflag:s12], $0x4000  }
0x9f: {  	[sflag:s12] =	ssyncset.done $0x0  }
0xa0: {  	[sflag:s12] =	ssyncadd.s32 $0xFFFFC000  }
0xa1: {  	s19 =	sadd.s32 $0x1, s19  }
0xa2: {  	p0 =	sne.s32 s19, s11  }
.Ltmp3:
0xa3: {  	_ = 	snop;
	(pc) =	sbr.rel @p0 .LBB2_1-.Ltmp3, $4  }
0xa4: {  	[hbm4b:s10+s1] =	stream.linear.scatter [tilespmem:s18], [sflag:$0x2], $0x200, $0x38;
	[tilespmem:$0x8600] =	vst v63  }
0xa5: {  	_ =	swait.ge [sflag:s12], $0x200  }
0xa6: {  	[sflag:s12] =	ssyncset.done $0x0  }
0xa7: {  	[sflag:s12] =	ssyncadd.s32 $0xFFFFFE00  }
0xa8: {  	_ =	sfence.sel $0x180000  }
0xa9: {  	[bflag:$0x0] =	sbarrier.arrive $0xFFFF  }
0xaa: {  	_ =	strace $0x90000047  }
0xab: {  	s0 =	stileid.u32;
	[bflag:$0x2] =	sbarrier.arrive $0xFFFF  }
0xac: {  	p0 =	sne.s32 s0, $0x0;
	s0 =	rddreg [dreg:$0x4]  }
0xad: {  	s0 =	sadd.s32 @!p0 $0x100000, s0  }
0xae: {  	[sflag:s0] =	ssyncadd.tile.s32 @!p0 $0x1;
	_ =	shalt  }
.Lfunc_end2:
_tile_overlayer_lowered:
.L_overlay_start_2:
0xaf: {  	(tag) =	ssettag $0x2  }
0xb0: {  	s0 =	rddreg [dreg:$0x0];
	s2 =	stileid.u32  }
0xb1: {  	s1 =	rddreg [dreg:$0x1];
	p0 =	sne.s32 s2, $0x0  }
0xb2: {  	s3 =	rddreg [dreg:$0x2];
	[bflag:$0x3] =	sbarrier.arrive $0xFFFF;
	s2 =	simm.s32 @!p0 $0x1C02  }
0xb3: {  	[timem:s3], [sflag:s2] =	dma.local @!p0 [hbm:s0], s1  }
0xb4: {  	s0 =	simm.s32 @!p0 $0x2  }
0xb5: {  	_ =	swait.ge @!p0 [sflag:s0], s1  }
0xb6: {  	s1 =	ssub.s32 @!p0 $0x0, s1;
	[sflag:s0] =	ssyncset.done @!p0 $0x0  }
0xb7: {  	[sflag:s0] =	ssyncadd.s32 @!p0 s1  }
0xb8: {  	[bflag:$0x3] =	sbarrier.arrive $0xFFFF  }
0xb9: {  	_ =	shalt  }

</sc_bundles>
